<compile_context>
chip_gen: v7x
topology: tpu7x:2x2x1
jax: 0.10.2.dev20260603
libtpu: 0.0.44.dev20260713+nightly
codegen_flags: <defaults>
</compile_context>

<pallas_src>
import functools

import jax
import jax.numpy as jnp
import numpy as np
from jax.experimental import pallas as pl
from jax.experimental.pallas import tpu as pltpu

P_RESAMPLE = 0.2
TN = 256
CAP = 2048

_ROT = ((13, 15, 26, 6), (17, 29, 16, 24))
_TINY = np.float32(np.finfo(np.float32).tiny)


def _gumbel_bits(i):
    k0 = jnp.uint32(0)
    k1 = jnp.uint32(42)
    ks = (k0, k1, k0 ^ k1 ^ jnp.uint32(0x1BD11BDA))
    x1 = i + ks[1]
    x0 = x1
    x1 = ((x1 << jnp.uint32(13)) | (x1 >> jnp.uint32(32 - 13))) ^ x0
    for g in range(5):
        for r in _ROT[g % 2][1:] if g == 0 else _ROT[g % 2]:
            x0 = x0 + x1
            x1 = ((x1 << jnp.uint32(r)) | (x1 >> jnp.uint32(32 - r))) ^ x0
        x0 = x0 + ks[(g + 1) % 3]
        x1 = x1 + ks[(g + 2) % 3] + jnp.uint32(g + 1)
    return x0 ^ x1


def _gumbel(i):
    bits = _gumbel_bits(i)
    fb = (bits >> jnp.uint32(9)) | jnp.uint32(0x3F800000)
    f = jax.lax.bitcast_convert_type(fb, jnp.float32) - jnp.float32(1.0)
    u = jnp.maximum(_TINY, f * (jnp.float32(1.0) - _TINY) + _TINY)
    return -jnp.log(-jnp.log(u))


def _sample_kernel(n_total, counts_ref, toks_ref, idx_ref, sq_ref, embs_ref,
                   out_ref):
    tn = toks_ref.shape[-1]
    v = embs_ref.shape[1]
    ci = pl.program_id(0)
    ji = pl.program_id(1)

    @pl.when(ji * tn < counts_ref[ci])
    def _():
        _sample_tile(n_total, ci, toks_ref, idx_ref, sq_ref, embs_ref, out_ref)


def _sample_tile(n_total, ci, toks_ref, idx_ref, sq_ref, embs_ref, out_ref):
    tn = toks_ref.shape[-1]
    v = embs_ref.shape[1]
    tok = toks_ref[0, 0, :]
    n_idx = idx_ref[0, 0, :]
    embs_c = embs_ref[0]
    sq_c = sq_ref[0, 0, :]

    iota_v = jax.lax.broadcasted_iota(jnp.int32, (tn, v), 1)
    is_tok = iota_v == tok[:, None]
    onehot = is_tok.astype(jnp.float32)

    ge = jax.lax.dot_general(
        onehot, embs_c, (((1,), (0,)), ((), ())),
        precision=jax.lax.Precision.HIGHEST)
    sq_tok = jnp.sum(jnp.where(is_tok, sq_c[None, :], 0.0), axis=1,
                     keepdims=True)

    inner = jax.lax.dot_general(
        ge, embs_c, (((1,), (1,)), ((), ())),
        precision=jax.lax.Precision.DEFAULT)

    d2 = (sq_tok + sq_c[None, :]) - 2.0 * inner
    dist = jnp.sqrt(jnp.maximum(d2, 0.0))
    logits = jnp.where(is_tok, -jnp.inf, -dist)

    row = ci * n_total + n_idx
    base = row.astype(jnp.uint32) * jnp.uint32(v)
    flat_i = base[:, None] + iota_v.astype(jnp.uint32)
    score = logits + _gumbel(flat_i)

    m = jnp.max(score, axis=1, keepdims=True)
    out_ref[0, 0, :] = jnp.min(jnp.where(score == m, iota_v, v), axis=1)


def kernel(toks, embs):
    b, t, c = toks.shape
    _, v, d = embs.shape
    n = b * t
    nb = CAP // TN

    toks_cn = toks.reshape(n, c).T
    sq = jnp.sum(embs * embs, axis=-1).reshape(c, 1, v)
    u = jax.random.uniform(jax.random.key(7), (b, t, c))
    mask_cn = (u < P_RESAMPLE).reshape(n, c).T

    n_iota = jax.lax.broadcasted_iota(jnp.int16, (c, n), 1)
    key = jnp.where(mask_cn, n_iota, n_iota + jnp.int16(n))
    skey = jax.lax.sort(key, dimension=1)[:, :CAP].astype(jnp.int32)
    idx = skey & (n - 1)
    valid = skey < n
    toks_sel = jnp.take_along_axis(toks_cn, idx, axis=1)
    counts = jnp.sum(mask_cn, axis=1, dtype=jnp.int32)

    samples = pl.pallas_call(
        functools.partial(_sample_kernel, n),
        grid_spec=pltpu.PrefetchScalarGridSpec(
            num_scalar_prefetch=1,
            grid=(c, nb),
            in_specs=[
                pl.BlockSpec((1, 1, TN), lambda ci, i, cnt: (ci * nb + i, 0, 0)),
                pl.BlockSpec((1, 1, TN), lambda ci, i, cnt: (ci * nb + i, 0, 0)),
                pl.BlockSpec((1, 1, v), lambda ci, i, cnt: (ci, 0, 0)),
                pl.BlockSpec((1, v, d), lambda ci, i, cnt: (ci, 0, 0)),
            ],
            out_specs=pl.BlockSpec(
                (1, 1, TN), lambda ci, i, cnt: (ci * nb + i, 0, 0)),
        ),
        out_shape=jax.ShapeDtypeStruct((c * nb, 1, TN), jnp.int32),
    )(counts, toks_sel.reshape(c * nb, 1, TN), idx.reshape(c * nb, 1, TN),
      sq, embs)

    samples = samples.reshape(c, CAP)
    scatter_idx = jnp.where(valid, idx, n)
    new_cn = toks_cn.at[jnp.arange(c)[:, None], scatter_idx].set(
        samples, mode='drop', unique_indices=True)
    return new_cn.T.reshape(b, t, c)

# --- scband reference (transcript-rebuilt; emitter-appended) ---
"""Pipeline reference for scband-codec-15204184228126 (READ-ONLY COPY).

The authoritative reference and input builder live on the scoring server;
editing this copy changes nothing except your own understanding.
"""

import jax, jax.numpy as jnp
import numpy as np

B, T, C, V, D = 4, 2048, 8, 1024, 128
P_RESAMPLE = 0.2
TEMP = 1.0


def setup_inputs(seed: int = 0) -> dict:
    key = jax.random.key(seed)
    k1, k2 = jax.random.split(key)
    toks = jax.random.randint(k1, (B, T, C), 0, V, dtype=jnp.int32)
    embs = jax.random.normal(k2, (C, V, D), dtype=jnp.float32)
    return {"toks": toks, "embs": embs}


def _compute_logits(embs):
    # logits = -cdist(embs, embs) per codebook, diagonal masked to -inf
    sq = jnp.sum(embs * embs, axis=-1)  # [C, V]
    inner = jnp.einsum('cvd,cwd->cvw', embs, embs)  # [C, V, V]
    d2 = sq[:, :, None] + sq[:, None, :] - 2.0 * inner
    dist = jnp.sqrt(jnp.maximum(d2, 0.0))
    logits = -dist
    eye = jnp.eye(logits.shape[-1], dtype=bool)
    logits = jnp.where(eye[None, :, :], -jnp.inf, logits)
    return logits


def reference(toks, embs):
    # Faithful port of Codec.resample(toks, p=0.2, temp=1.0, top_k=None, top_p=None)
    b, t, c = toks.shape
    flat = toks.reshape(-1, c).T  # [C, N] where N = B*T
    logits = jax.lax.stop_gradient(_compute_logits(embs))  # [C, V, V] (torch.no_grad)
    v = logits.shape[-1]
    # torch: logits.gather(1, toks[..., None].expand(-1, -1, V)) -> [C, N, V]
    selected_logits = jnp.take_along_axis(logits, flat[:, :, None], axis=1)  # [C, N, V]
    sel_flat = selected_logits.reshape(-1, v)  # [C*N, V]
    # multinomial over softmax(selected_logits / temp) == categorical(selected_logits / temp)
    samples = jax.random.categorical(jax.random.key(42), sel_flat / TEMP, axis=-1)  # [C*N]
    samples = samples.reshape(c, -1).T  # [N, C]
    samples = samples.reshape(b, t, c).astype(toks.dtype)
    mask = jax.random.uniform(jax.random.key(7), (b, t, c)) < P_RESAMPLE
    new_toks = jnp.where(mask, samples, toks)
    return new_toks

if __name__ == "__main__":
    import jax
    _d = setup_inputs()
    print(jax.jit(kernel)(*tuple(_d.values())))

</pallas_src>

<mosaic_0001>
module attributes {stable_mosaic.version = 14 : i64} {
  func.func @_sample_kernel(%arg0: i32, %arg1: i32, %arg2: memref<8xi32, #tpu.memory_space<smem>>, %arg3: memref<1x1x256xi32, #tpu.memory_space<vmem>>, %arg4: memref<1x1x256xi32, #tpu.memory_space<vmem>>, %arg5: memref<1x1x1024xf32, #tpu.memory_space<vmem>>, %arg6: memref<1x1024x128xf32, #tpu.memory_space<vmem>>, %arg7: memref<1x1x256xi32, #tpu.memory_space<vmem>>) attributes {dimension_semantics = [#tpu.dimension_semantics<arbitrary>, #tpu.dimension_semantics<arbitrary>], iteration_bounds = array<i64: 8, 8>, scalar_prefetch = 1 : i64, scratch_operands = 0 : i64, tpu.core_type = #tpu.core_type<tc>, window_params = [{transform_indices = @transform_0, window_bounds = array<i64: 1, 1, 256>}, {transform_indices = @transform_1, window_bounds = array<i64: 1, 1, 256>}, {transform_indices = @transform_2, window_bounds = array<i64: 1, 1, 1024>}, {transform_indices = @transform_3, window_bounds = array<i64: 1, 1024, 128>}, {transform_indices = @transform_4, window_bounds = array<i64: 1, 1, 256>}]} {
    %mul3A = arith.constant 256 : i32
    %mul3A_0 = arith.muli %arg1, %mul3A : i32
    %get3A = arith.index_cast %arg0 : i32 to index
    %get3A_1 = memref.load %arg2[%get3A] : memref<8xi32, #tpu.memory_space<smem>>
    %lt3A = arith.cmpi slt, %mul3A_0, %get3A_1 : i32
    %convert_element_type3A = arith.extui %lt3A : i1 to i32
    %cond3A = arith.constant 0 : i32
    %cond3A_2 = arith.cmpi ne, %convert_element_type3A, %cond3A : i32
    scf.if %cond3A_2 {
      %get3A_3 = arith.constant 0 : index
      %get3A_4 = arith.constant 0 : index
      %get3A_5 = arith.constant 0 : index
      %get3A_6 = vector.load %arg3[%get3A_3, %get3A_4, %get3A_5] : memref<1x1x256xi32, #tpu.memory_space<vmem>>, vector<1x1x256xi32>
      %get3A_7 = vector.shape_cast %get3A_6 : vector<1x1x256xi32> to vector<256xi32>
      %get3A_8 = arith.constant 0 : index
      %get3A_9 = arith.constant 0 : index
      %get3A_10 = arith.constant 0 : index
      %get3A_11 = vector.load %arg4[%get3A_8, %get3A_9, %get3A_10] : memref<1x1x256xi32, #tpu.memory_space<vmem>>, vector<1x1x256xi32>
      %get3A_12 = vector.shape_cast %get3A_11 : vector<1x1x256xi32> to vector<256xi32>
      %get3A_13 = arith.constant 0 : index
      %get3A_14 = arith.constant 0 : index
      %get3A_15 = arith.constant 0 : index
      %get3A_16 = vector.load %arg6[%get3A_13, %get3A_14, %get3A_15] : memref<1x1024x128xf32, #tpu.memory_space<vmem>>, vector<1x1024x128xf32>
      %get3A_17 = vector.shape_cast %get3A_16 : vector<1x1024x128xf32> to vector<1024x128xf32>
      %get3A_18 = arith.constant 0 : index
      %get3A_19 = arith.constant 0 : index
      %get3A_20 = arith.constant 0 : index
      %get3A_21 = vector.load %arg5[%get3A_18, %get3A_19, %get3A_20] : memref<1x1x1024xf32, #tpu.memory_space<vmem>>, vector<1x1x1024xf32>
      %get3A_22 = vector.shape_cast %get3A_21 : vector<1x1x1024xf32> to vector<1024xf32>
      %iota3A = tpu.iota {dimensions = array<i32: 1>} : vector<256x1024xi32>
      %broadcast_in_dim3A = vector.shape_cast %get3A_7 : vector<256xi32> to vector<256x1xi32>
      %eq3A = vector.broadcast %broadcast_in_dim3A : vector<256x1xi32> to vector<256x1024xi32>
      %eq3A_23 = arith.cmpi eq, %iota3A, %eq3A : vector<256x1024xi32>
      %convert_element_type3A_24 = arith.extui %eq3A_23 : vector<256x1024xi1> to vector<256x1024xi32>
      %convert_element_type3A_25 = arith.sitofp %convert_element_type3A_24 : vector<256x1024xi32> to vector<256x1024xf32>
      %dot_general3A = arith.constant dense<0.000000e+00> : vector<256x128xf32>
      %dot_general3A_26 = tpu.matmul %convert_element_type3A_25, %get3A_17, %dot_general3A {dimension_numbers = #tpu.dot_dimension_numbers<[1], [0], [0], [1], [0, 0, 1, 1], [], []>, precision = #tpu.contract_precision<fp32>, transpose_lhs_hint = false} : vector<256x1024xf32>, vector<1024x128xf32>, vector<256x128xf32> -> vector<256x128xf32>
      %broadcast_in_dim3A_27 = vector.shape_cast %get3A_22 : vector<1024xf32> to vector<1x1024xf32>
      %jit3A = arith.constant 0.000000e+00 : f32
      %broadcast_in_dim3A_28 = vector.shape_cast %broadcast_in_dim3A_27 : vector<1x1024xf32> to vector<1x1024xf32>
      %broadcast_in_dim3A_29 = vector.broadcast %broadcast_in_dim3A_28 : vector<1x1024xf32> to vector<256x1024xf32>
      %broadcast_in_dim3A_30 = vector.broadcast %jit3A : f32 to vector<256x1024xf32>
      %select_n3A = arith.select %eq3A_23, %broadcast_in_dim3A_29, %broadcast_in_dim3A_30 : vector<256x1024xi1>, vector<256x1024xf32>
      %reduce_sum3A = arith.constant dense<0.000000e+00> : vector<256xf32>
      %reduce_sum3A_31 = vector.multi_reduction <add>, %select_n3A, %reduce_sum3A [1] : vector<256x1024xf32> to vector<256xf32>
      %broadcast_in_dim3A_32 = vector.shape_cast %reduce_sum3A_31 : vector<256xf32> to vector<256x1xf32>
      %dot_general3A_33 = arith.constant dense<0.000000e+00> : vector<256x1024xf32>
      %dot_general3A_34 = tpu.matmul %dot_general3A_26, %get3A_17, %dot_general3A_33 {dimension_numbers = #tpu.dot_dimension_numbers<[1], [1], [0], [0], [0, 0, 1, 0], [], []>, transpose_lhs_hint = false} : vector<256x128xf32>, vector<1024x128xf32>, vector<256x1024xf32> -> vector<256x1024xf32>
      %broadcast_in_dim3A_35 = vector.shape_cast %get3A_22 : vector<1024xf32> to vector<1x1024xf32>
      %add3A = vector.broadcast %broadcast_in_dim3A_32 : vector<256x1xf32> to vector<256x1024xf32>
      %add3A_36 = vector.broadcast %broadcast_in_dim3A_35 : vector<1x1024xf32> to vector<256x1024xf32>
      %add3A_37 = arith.addf %add3A, %add3A_36 : vector<256x1024xf32>
      %mul3A_38 = arith.constant 2.000000e+00 : f32
      %mul3A_39 = vector.broadcast %mul3A_38 : f32 to vector<256x1024xf32>
      %mul3A_40 = arith.mulf %mul3A_39, %dot_general3A_34 : vector<256x1024xf32>
      %sub3A = arith.subf %add3A_37, %mul3A_40 : vector<256x1024xf32>
      %max3A = arith.constant 0.000000e+00 : f32
      %max3A_41 = vector.broadcast %max3A : f32 to vector<256x1024xf32>
      %max3A_42 = arith.maximumf %sub3A, %max3A_41 : vector<256x1024xf32>
      %sqrt3A = math.sqrt %max3A_42 : vector<256x1024xf32>
      %neg3A = arith.constant 0.000000e+00 : f32
      %neg3A_43 = vector.broadcast %neg3A : f32 to vector<256x1024xf32>
      %neg3A_44 = arith.subf %neg3A_43, %sqrt3A : vector<256x1024xf32>
      %jit3A_45 = arith.constant 0xFF800000 : f32
      %broadcast_in_dim3A_46 = vector.broadcast %jit3A_45 : f32 to vector<256x1024xf32>
      %select_n3A_47 = arith.select %eq3A_23, %broadcast_in_dim3A_46, %neg3A_44 : vector<256x1024xi1>, vector<256x1024xf32>
      %mul3A_48 = arith.constant 8192 : i32
      %mul3A_49 = arith.muli %arg0, %mul3A_48 : i32
      %add3A_50 = vector.broadcast %mul3A_49 : i32 to vector<256xi32>
      %add3A_51 = arith.addi %add3A_50, %get3A_12 : vector<256xi32>
      %mul3A_52 = arith.constant 1024 : i32
      %mul3A_53 = vector.broadcast %mul3A_52 : i32 to vector<256xi32>
      %mul3A_54 = arith.muli %add3A_51, %mul3A_53 : vector<256xi32>
      %broadcast_in_dim3A_55 = vector.shape_cast %mul3A_54 : vector<256xi32> to vector<256x1xi32>
      %add3A_56 = vector.broadcast %broadcast_in_dim3A_55 : vector<256x1xi32> to vector<256x1024xi32>
      %add3A_57 = arith.addi %add3A_56, %iota3A : vector<256x1024xi32>
      %xor3A = arith.constant 0 : i32
      %xor3A_58 = arith.constant 42 : i32
      %xor3A_59 = arith.xori %xor3A, %xor3A_58 : i32
      %xor3A_60 = arith.constant 466688986 : i32
      %xor3A_61 = arith.xori %xor3A_59, %xor3A_60 : i32
      %add3A_62 = arith.constant 42 : i32
      %add3A_63 = vector.broadcast %add3A_62 : i32 to vector<256x1024xi32>
      %add3A_64 = arith.addi %add3A_57, %add3A_63 : vector<256x1024xi32>
      %shift_left3A = arith.constant 13 : i32
      %shift_left3A_65 = vector.broadcast %shift_left3A : i32 to vector<256x1024xi32>
      %shift_left3A_66 = arith.shli %add3A_64, %shift_left3A_65 : vector<256x1024xi32>
      %shift_right_logical3A = arith.constant 19 : i32
      %shift_right_logical3A_67 = vector.broadcast %shift_right_logical3A : i32 to vector<256x1024xi32>
      %shift_right_logical3A_68 = arith.shrui %add3A_64, %shift_right_logical3A_67 : vector<256x1024xi32>
      %or3A = arith.ori %shift_left3A_66, %shift_right_logical3A_68 : vector<256x1024xi32>
      %xor3A_69 = arith.xori %or3A, %add3A_64 : vector<256x1024xi32>
      %add3A_70 = arith.addi %add3A_64, %xor3A_69 : vector<256x1024xi32>
      %shift_left3A_71 = arith.constant 15 : i32
      %shift_left3A_72 = vector.broadcast %shift_left3A_71 : i32 to vector<256x1024xi32>
      %shift_left3A_73 = arith.shli %xor3A_69, %shift_left3A_72 : vector<256x1024xi32>
      %shift_right_logical3A_74 = arith.constant 17 : i32
      %shift_right_logical3A_75 = vector.broadcast %shift_right_logical3A_74 : i32 to vector<256x1024xi32>
      %shift_right_logical3A_76 = arith.shrui %xor3A_69, %shift_right_logical3A_75 : vector<256x1024xi32>
      %or3A_77 = arith.ori %shift_left3A_73, %shift_right_logical3A_76 : vector<256x1024xi32>
      %xor3A_78 = arith.xori %or3A_77, %add3A_70 : vector<256x1024xi32>
      %add3A_79 = arith.addi %add3A_70, %xor3A_78 : vector<256x1024xi32>
      %shift_left3A_80 = arith.constant 26 : i32
      %shift_left3A_81 = vector.broadcast %shift_left3A_80 : i32 to vector<256x1024xi32>
      %shift_left3A_82 = arith.shli %xor3A_78, %shift_left3A_81 : vector<256x1024xi32>
      %shift_right_logical3A_83 = arith.constant 6 : i32
      %shift_right_logical3A_84 = vector.broadcast %shift_right_logical3A_83 : i32 to vector<256x1024xi32>
      %shift_right_logical3A_85 = arith.shrui %xor3A_78, %shift_right_logical3A_84 : vector<256x1024xi32>
      %or3A_86 = arith.ori %shift_left3A_82, %shift_right_logical3A_85 : vector<256x1024xi32>
      %xor3A_87 = arith.xori %or3A_86, %add3A_79 : vector<256x1024xi32>
      %add3A_88 = arith.addi %add3A_79, %xor3A_87 : vector<256x1024xi32>
      %shift_left3A_89 = arith.constant 6 : i32
      %shift_left3A_90 = vector.broadcast %shift_left3A_89 : i32 to vector<256x1024xi32>
      %shift_left3A_91 = arith.shli %xor3A_87, %shift_left3A_90 : vector<256x1024xi32>
      %shift_right_logical3A_92 = arith.constant 26 : i32
      %shift_right_logical3A_93 = vector.broadcast %shift_right_logical3A_92 : i32 to vector<256x1024xi32>
      %shift_right_logical3A_94 = arith.shrui %xor3A_87, %shift_right_logical3A_93 : vector<256x1024xi32>
      %or3A_95 = arith.ori %shift_left3A_91, %shift_right_logical3A_94 : vector<256x1024xi32>
      %xor3A_96 = arith.xori %or3A_95, %add3A_88 : vector<256x1024xi32>
      %add3A_97 = arith.constant 42 : i32
      %add3A_98 = vector.broadcast %add3A_97 : i32 to vector<256x1024xi32>
      %add3A_99 = arith.addi %add3A_88, %add3A_98 : vector<256x1024xi32>
      %add3A_100 = vector.broadcast %xor3A_61 : i32 to vector<256x1024xi32>
      %add3A_101 = arith.addi %xor3A_96, %add3A_100 : vector<256x1024xi32>
      %add3A_102 = arith.constant 1 : i32
      %add3A_103 = vector.broadcast %add3A_102 : i32 to vector<256x1024xi32>
      %add3A_104 = arith.addi %add3A_101, %add3A_103 : vector<256x1024xi32>
      %add3A_105 = arith.addi %add3A_99, %add3A_104 : vector<256x1024xi32>
      %shift_left3A_106 = arith.constant 17 : i32
      %shift_left3A_107 = vector.broadcast %shift_left3A_106 : i32 to vector<256x1024xi32>
      %shift_left3A_108 = arith.shli %add3A_104, %shift_left3A_107 : vector<256x1024xi32>
      %shift_right_logical3A_109 = arith.constant 15 : i32
      %shift_right_logical3A_110 = vector.broadcast %shift_right_logical3A_109 : i32 to vector<256x1024xi32>
      %shift_right_logical3A_111 = arith.shrui %add3A_104, %shift_right_logical3A_110 : vector<256x1024xi32>
      %or3A_112 = arith.ori %shift_left3A_108, %shift_right_logical3A_111 : vector<256x1024xi32>
      %xor3A_113 = arith.xori %or3A_112, %add3A_105 : vector<256x1024xi32>
      %add3A_114 = arith.addi %add3A_105, %xor3A_113 : vector<256x1024xi32>
      %shift_left3A_115 = arith.constant 29 : i32
      %shift_left3A_116 = vector.broadcast %shift_left3A_115 : i32 to vector<256x1024xi32>
      %shift_left3A_117 = arith.shli %xor3A_113, %shift_left3A_116 : vector<256x1024xi32>
      %shift_right_logical3A_118 = arith.constant 3 : i32
      %shift_right_logical3A_119 = vector.broadcast %shift_right_logical3A_118 : i32 to vector<256x1024xi32>
      %shift_right_logical3A_120 = arith.shrui %xor3A_113, %shift_right_logical3A_119 : vector<256x1024xi32>
      %or3A_121 = arith.ori %shift_left3A_117, %shift_right_logical3A_120 : vector<256x1024xi32>
      %xor3A_122 = arith.xori %or3A_121, %add3A_114 : vector<256x1024xi32>
      %add3A_123 = arith.addi %add3A_114, %xor3A_122 : vector<256x1024xi32>
      %shift_left3A_124 = arith.constant 16 : i32
      %shift_left3A_125 = vector.broadcast %shift_left3A_124 : i32 to vector<256x1024xi32>
      %shift_left3A_126 = arith.shli %xor3A_122, %shift_left3A_125 : vector<256x1024xi32>
      %shift_right_logical3A_127 = arith.constant 16 : i32
      %shift_right_logical3A_128 = vector.broadcast %shift_right_logical3A_127 : i32 to vector<256x1024xi32>
      %shift_right_logical3A_129 = arith.shrui %xor3A_122, %shift_right_logical3A_128 : vector<256x1024xi32>
      %or3A_130 = arith.ori %shift_left3A_126, %shift_right_logical3A_129 : vector<256x1024xi32>
      %xor3A_131 = arith.xori %or3A_130, %add3A_123 : vector<256x1024xi32>
      %add3A_132 = arith.addi %add3A_123, %xor3A_131 : vector<256x1024xi32>
      %shift_left3A_133 = arith.constant 24 : i32
      %shift_left3A_134 = vector.broadcast %shift_left3A_133 : i32 to vector<256x1024xi32>
      %shift_left3A_135 = arith.shli %xor3A_131, %shift_left3A_134 : vector<256x1024xi32>
      %shift_right_logical3A_136 = arith.constant 8 : i32
      %shift_right_logical3A_137 = vector.broadcast %shift_right_logical3A_136 : i32 to vector<256x1024xi32>
      %shift_right_logical3A_138 = arith.shrui %xor3A_131, %shift_right_logical3A_137 : vector<256x1024xi32>
      %or3A_139 = arith.ori %shift_left3A_135, %shift_right_logical3A_138 : vector<256x1024xi32>
      %xor3A_140 = arith.xori %or3A_139, %add3A_132 : vector<256x1024xi32>
      %add3A_141 = vector.broadcast %xor3A_61 : i32 to vector<256x1024xi32>
      %add3A_142 = arith.addi %add3A_132, %add3A_141 : vector<256x1024xi32>
      %add3A_143 = arith.constant 0 : i32
      %add3A_144 = vector.broadcast %add3A_143 : i32 to vector<256x1024xi32>
      %add3A_145 = arith.addi %xor3A_140, %add3A_144 : vector<256x1024xi32>
      %add3A_146 = arith.constant 2 : i32
      %add3A_147 = vector.broadcast %add3A_146 : i32 to vector<256x1024xi32>
      %add3A_148 = arith.addi %add3A_145, %add3A_147 : vector<256x1024xi32>
      %add3A_149 = arith.addi %add3A_142, %add3A_148 : vector<256x1024xi32>
      %shift_left3A_150 = arith.constant 13 : i32
      %shift_left3A_151 = vector.broadcast %shift_left3A_150 : i32 to vector<256x1024xi32>
      %shift_left3A_152 = arith.shli %add3A_148, %shift_left3A_151 : vector<256x1024xi32>
      %shift_right_logical3A_153 = arith.constant 19 : i32
      %shift_right_logical3A_154 = vector.broadcast %shift_right_logical3A_153 : i32 to vector<256x1024xi32>
      %shift_right_logical3A_155 = arith.shrui %add3A_148, %shift_right_logical3A_154 : vector<256x1024xi32>
      %or3A_156 = arith.ori %shift_left3A_152, %shift_right_logical3A_155 : vector<256x1024xi32>
      %xor3A_157 = arith.xori %or3A_156, %add3A_149 : vector<256x1024xi32>
      %add3A_158 = arith.addi %add3A_149, %xor3A_157 : vector<256x1024xi32>
      %shift_left3A_159 = arith.constant 15 : i32
      %shift_left3A_160 = vector.broadcast %shift_left3A_159 : i32 to vector<256x1024xi32>
      %shift_left3A_161 = arith.shli %xor3A_157, %shift_left3A_160 : vector<256x1024xi32>
      %shift_right_logical3A_162 = arith.constant 17 : i32
      %shift_right_logical3A_163 = vector.broadcast %shift_right_logical3A_162 : i32 to vector<256x1024xi32>
      %shift_right_logical3A_164 = arith.shrui %xor3A_157, %shift_right_logical3A_163 : vector<256x1024xi32>
      %or3A_165 = arith.ori %shift_left3A_161, %shift_right_logical3A_164 : vector<256x1024xi32>
      %xor3A_166 = arith.xori %or3A_165, %add3A_158 : vector<256x1024xi32>
      %add3A_167 = arith.addi %add3A_158, %xor3A_166 : vector<256x1024xi32>
      %shift_left3A_168 = arith.constant 26 : i32
      %shift_left3A_169 = vector.broadcast %shift_left3A_168 : i32 to vector<256x1024xi32>
      %shift_left3A_170 = arith.shli %xor3A_166, %shift_left3A_169 : vector<256x1024xi32>
      %shift_right_logical3A_171 = arith.constant 6 : i32
      %shift_right_logical3A_172 = vector.broadcast %shift_right_logical3A_171 : i32 to vector<256x1024xi32>
      %shift_right_logical3A_173 = arith.shrui %xor3A_166, %shift_right_logical3A_172 : vector<256x1024xi32>
      %or3A_174 = arith.ori %shift_left3A_170, %shift_right_logical3A_173 : vector<256x1024xi32>
      %xor3A_175 = arith.xori %or3A_174, %add3A_167 : vector<256x1024xi32>
      %add3A_176 = arith.addi %add3A_167, %xor3A_175 : vector<256x1024xi32>
      %shift_left3A_177 = arith.constant 6 : i32
      %shift_left3A_178 = vector.broadcast %shift_left3A_177 : i32 to vector<256x1024xi32>
      %shift_left3A_179 = arith.shli %xor3A_175, %shift_left3A_178 : vector<256x1024xi32>
      %shift_right_logical3A_180 = arith.constant 26 : i32
      %shift_right_logical3A_181 = vector.broadcast %shift_right_logical3A_180 : i32 to vector<256x1024xi32>
      %shift_right_logical3A_182 = arith.shrui %xor3A_175, %shift_right_logical3A_181 : vector<256x1024xi32>
      %or3A_183 = arith.ori %shift_left3A_179, %shift_right_logical3A_182 : vector<256x1024xi32>
      %xor3A_184 = arith.xori %or3A_183, %add3A_176 : vector<256x1024xi32>
      %add3A_185 = arith.constant 0 : i32
      %add3A_186 = vector.broadcast %add3A_185 : i32 to vector<256x1024xi32>
      %add3A_187 = arith.addi %add3A_176, %add3A_186 : vector<256x1024xi32>
      %add3A_188 = arith.constant 42 : i32
      %add3A_189 = vector.broadcast %add3A_188 : i32 to vector<256x1024xi32>
      %add3A_190 = arith.addi %xor3A_184, %add3A_189 : vector<256x1024xi32>
      %add3A_191 = arith.constant 3 : i32
      %add3A_192 = vector.broadcast %add3A_191 : i32 to vector<256x1024xi32>
      %add3A_193 = arith.addi %add3A_190, %add3A_192 : vector<256x1024xi32>
      %add3A_194 = arith.addi %add3A_187, %add3A_193 : vector<256x1024xi32>
      %shift_left3A_195 = arith.constant 17 : i32
      %shift_left3A_196 = vector.broadcast %shift_left3A_195 : i32 to vector<256x1024xi32>
      %shift_left3A_197 = arith.shli %add3A_193, %shift_left3A_196 : vector<256x1024xi32>
      %shift_right_logical3A_198 = arith.constant 15 : i32
      %shift_right_logical3A_199 = vector.broadcast %shift_right_logical3A_198 : i32 to vector<256x1024xi32>
      %shift_right_logical3A_200 = arith.shrui %add3A_193, %shift_right_logical3A_199 : vector<256x1024xi32>
      %or3A_201 = arith.ori %shift_left3A_197, %shift_right_logical3A_200 : vector<256x1024xi32>
      %xor3A_202 = arith.xori %or3A_201, %add3A_194 : vector<256x1024xi32>
      %add3A_203 = arith.addi %add3A_194, %xor3A_202 : vector<256x1024xi32>
      %shift_left3A_204 = arith.constant 29 : i32
      %shift_left3A_205 = vector.broadcast %shift_left3A_204 : i32 to vector<256x1024xi32>
      %shift_left3A_206 = arith.shli %xor3A_202, %shift_left3A_205 : vector<256x1024xi32>
      %shift_right_logical3A_207 = arith.constant 3 : i32
      %shift_right_logical3A_208 = vector.broadcast %shift_right_logical3A_207 : i32 to vector<256x1024xi32>
      %shift_right_logical3A_209 = arith.shrui %xor3A_202, %shift_right_logical3A_208 : vector<256x1024xi32>
      %or3A_210 = arith.ori %shift_left3A_206, %shift_right_logical3A_209 : vector<256x1024xi32>
      %xor3A_211 = arith.xori %or3A_210, %add3A_203 : vector<256x1024xi32>
      %add3A_212 = arith.addi %add3A_203, %xor3A_211 : vector<256x1024xi32>
      %shift_left3A_213 = arith.constant 16 : i32
      %shift_left3A_214 = vector.broadcast %shift_left3A_213 : i32 to vector<256x1024xi32>
      %shift_left3A_215 = arith.shli %xor3A_211, %shift_left3A_214 : vector<256x1024xi32>
      %shift_right_logical3A_216 = arith.constant 16 : i32
      %shift_right_logical3A_217 = vector.broadcast %shift_right_logical3A_216 : i32 to vector<256x1024xi32>
      %shift_right_logical3A_218 = arith.shrui %xor3A_211, %shift_right_logical3A_217 : vector<256x1024xi32>
      %or3A_219 = arith.ori %shift_left3A_215, %shift_right_logical3A_218 : vector<256x1024xi32>
      %xor3A_220 = arith.xori %or3A_219, %add3A_212 : vector<256x1024xi32>
      %add3A_221 = arith.addi %add3A_212, %xor3A_220 : vector<256x1024xi32>
      %shift_left3A_222 = arith.constant 24 : i32
      %shift_left3A_223 = vector.broadcast %shift_left3A_222 : i32 to vector<256x1024xi32>
      %shift_left3A_224 = arith.shli %xor3A_220, %shift_left3A_223 : vector<256x1024xi32>
      %shift_right_logical3A_225 = arith.constant 8 : i32
      %shift_right_logical3A_226 = vector.broadcast %shift_right_logical3A_225 : i32 to vector<256x1024xi32>
      %shift_right_logical3A_227 = arith.shrui %xor3A_220, %shift_right_logical3A_226 : vector<256x1024xi32>
      %or3A_228 = arith.ori %shift_left3A_224, %shift_right_logical3A_227 : vector<256x1024xi32>
      %xor3A_229 = arith.xori %or3A_228, %add3A_221 : vector<256x1024xi32>
      %add3A_230 = arith.constant 42 : i32
      %add3A_231 = vector.broadcast %add3A_230 : i32 to vector<256x1024xi32>
      %add3A_232 = arith.addi %add3A_221, %add3A_231 : vector<256x1024xi32>
      %add3A_233 = vector.broadcast %xor3A_61 : i32 to vector<256x1024xi32>
      %add3A_234 = arith.addi %xor3A_229, %add3A_233 : vector<256x1024xi32>
      %add3A_235 = arith.constant 4 : i32
      %add3A_236 = vector.broadcast %add3A_235 : i32 to vector<256x1024xi32>
      %add3A_237 = arith.addi %add3A_234, %add3A_236 : vector<256x1024xi32>
      %add3A_238 = arith.addi %add3A_232, %add3A_237 : vector<256x1024xi32>
      %shift_left3A_239 = arith.constant 13 : i32
      %shift_left3A_240 = vector.broadcast %shift_left3A_239 : i32 to vector<256x1024xi32>
      %shift_left3A_241 = arith.shli %add3A_237, %shift_left3A_240 : vector<256x1024xi32>
      %shift_right_logical3A_242 = arith.constant 19 : i32
      %shift_right_logical3A_243 = vector.broadcast %shift_right_logical3A_242 : i32 to vector<256x1024xi32>
      %shift_right_logical3A_244 = arith.shrui %add3A_237, %shift_right_logical3A_243 : vector<256x1024xi32>
      %or3A_245 = arith.ori %shift_left3A_241, %shift_right_logical3A_244 : vector<256x1024xi32>
      %xor3A_246 = arith.xori %or3A_245, %add3A_238 : vector<256x1024xi32>
      %add3A_247 = arith.addi %add3A_238, %xor3A_246 : vector<256x1024xi32>
      %shift_left3A_248 = arith.constant 15 : i32
      %shift_left3A_249 = vector.broadcast %shift_left3A_248 : i32 to vector<256x1024xi32>
      %shift_left3A_250 = arith.shli %xor3A_246, %shift_left3A_249 : vector<256x1024xi32>
      %shift_right_logical3A_251 = arith.constant 17 : i32
      %shift_right_logical3A_252 = vector.broadcast %shift_right_logical3A_251 : i32 to vector<256x1024xi32>
      %shift_right_logical3A_253 = arith.shrui %xor3A_246, %shift_right_logical3A_252 : vector<256x1024xi32>
      %or3A_254 = arith.ori %shift_left3A_250, %shift_right_logical3A_253 : vector<256x1024xi32>
      %xor3A_255 = arith.xori %or3A_254, %add3A_247 : vector<256x1024xi32>
      %add3A_256 = arith.addi %add3A_247, %xor3A_255 : vector<256x1024xi32>
      %shift_left3A_257 = arith.constant 26 : i32
      %shift_left3A_258 = vector.broadcast %shift_left3A_257 : i32 to vector<256x1024xi32>
      %shift_left3A_259 = arith.shli %xor3A_255, %shift_left3A_258 : vector<256x1024xi32>
      %shift_right_logical3A_260 = arith.constant 6 : i32
      %shift_right_logical3A_261 = vector.broadcast %shift_right_logical3A_260 : i32 to vector<256x1024xi32>
      %shift_right_logical3A_262 = arith.shrui %xor3A_255, %shift_right_logical3A_261 : vector<256x1024xi32>
      %or3A_263 = arith.ori %shift_left3A_259, %shift_right_logical3A_262 : vector<256x1024xi32>
      %xor3A_264 = arith.xori %or3A_263, %add3A_256 : vector<256x1024xi32>
      %add3A_265 = arith.addi %add3A_256, %xor3A_264 : vector<256x1024xi32>
      %shift_left3A_266 = arith.constant 6 : i32
      %shift_left3A_267 = vector.broadcast %shift_left3A_266 : i32 to vector<256x1024xi32>
      %shift_left3A_268 = arith.shli %xor3A_264, %shift_left3A_267 : vector<256x1024xi32>
      %shift_right_logical3A_269 = arith.constant 26 : i32
      %shift_right_logical3A_270 = vector.broadcast %shift_right_logical3A_269 : i32 to vector<256x1024xi32>
      %shift_right_logical3A_271 = arith.shrui %xor3A_264, %shift_right_logical3A_270 : vector<256x1024xi32>
      %or3A_272 = arith.ori %shift_left3A_268, %shift_right_logical3A_271 : vector<256x1024xi32>
      %xor3A_273 = arith.xori %or3A_272, %add3A_265 : vector<256x1024xi32>
      %add3A_274 = vector.broadcast %xor3A_61 : i32 to vector<256x1024xi32>
      %add3A_275 = arith.addi %add3A_265, %add3A_274 : vector<256x1024xi32>
      %add3A_276 = arith.constant 0 : i32
      %add3A_277 = vector.broadcast %add3A_276 : i32 to vector<256x1024xi32>
      %add3A_278 = arith.addi %xor3A_273, %add3A_277 : vector<256x1024xi32>
      %add3A_279 = arith.constant 5 : i32
      %add3A_280 = vector.broadcast %add3A_279 : i32 to vector<256x1024xi32>
      %add3A_281 = arith.addi %add3A_278, %add3A_280 : vector<256x1024xi32>
      %xor3A_282 = arith.xori %add3A_275, %add3A_281 : vector<256x1024xi32>
      %shift_right_logical3A_283 = arith.constant 9 : i32
      %shift_right_logical3A_284 = vector.broadcast %shift_right_logical3A_283 : i32 to vector<256x1024xi32>
      %shift_right_logical3A_285 = arith.shrui %xor3A_282, %shift_right_logical3A_284 : vector<256x1024xi32>
      %or3A_286 = arith.constant 1065353216 : i32
      %or3A_287 = vector.broadcast %or3A_286 : i32 to vector<256x1024xi32>
      %or3A_288 = arith.ori %shift_right_logical3A_285, %or3A_287 : vector<256x1024xi32>
      %bitcast_convert_type3A = tpu.bitcast %or3A_288 : vector<256x1024xi32> -> vector<256x1024xf32>
      %sub3A_289 = arith.constant 1.000000e+00 : f32
      %sub3A_290 = vector.broadcast %sub3A_289 : f32 to vector<256x1024xf32>
      %sub3A_291 = arith.subf %bitcast_convert_type3A, %sub3A_290 : vector<256x1024xf32>
      %sub3A_292 = arith.constant 1.000000e+00 : f32
      %sub3A_293 = arith.constant 1.17549435E-38 : f32
      %sub3A_294 = arith.subf %sub3A_292, %sub3A_293 : f32
      %mul3A_295 = vector.broadcast %sub3A_294 : f32 to vector<256x1024xf32>
      %mul3A_296 = arith.mulf %sub3A_291, %mul3A_295 : vector<256x1024xf32>
      %add3A_297 = arith.constant 1.17549435E-38 : f32
      %add3A_298 = vector.broadcast %add3A_297 : f32 to vector<256x1024xf32>
      %add3A_299 = arith.addf %mul3A_296, %add3A_298 : vector<256x1024xf32>
      %max3A_300 = arith.constant 1.17549435E-38 : f32
      %max3A_301 = vector.broadcast %max3A_300 : f32 to vector<256x1024xf32>
      %max3A_302 = arith.maximumf %max3A_301, %add3A_299 : vector<256x1024xf32>
      %log3A = math.log %max3A_302 : vector<256x1024xf32>
      %neg3A_303 = arith.constant 0.000000e+00 : f32
      %neg3A_304 = vector.broadcast %neg3A_303 : f32 to vector<256x1024xf32>
      %neg3A_305 = arith.subf %neg3A_304, %log3A : vector<256x1024xf32>
      %log3A_306 = math.log %neg3A_305 : vector<256x1024xf32>
      %neg3A_307 = arith.constant 0.000000e+00 : f32
      %neg3A_308 = vector.broadcast %neg3A_307 : f32 to vector<256x1024xf32>
      %neg3A_309 = arith.subf %neg3A_308, %log3A_306 : vector<256x1024xf32>
      %add3A_310 = arith.addf %select_n3A_47, %neg3A_309 : vector<256x1024xf32>
      %reduce_max3A = arith.constant dense<0xFF800000> : vector<256xf32>
      %reduce_max3A_311 = vector.multi_reduction <maximumf>, %add3A_310, %reduce_max3A [1] : vector<256x1024xf32> to vector<256xf32>
      %broadcast_in_dim3A_312 = vector.shape_cast %reduce_max3A_311 : vector<256xf32> to vector<256x1xf32>
      %eq3A_313 = vector.broadcast %broadcast_in_dim3A_312 : vector<256x1xf32> to vector<256x1024xf32>
      %eq3A_314 = arith.cmpf oeq, %add3A_310, %eq3A_313 : vector<256x1024xf32>
      %jit3A_315 = arith.constant 1024 : i32
      %broadcast_in_dim3A_316 = vector.broadcast %jit3A_315 : i32 to vector<256x1024xi32>
      %select_n3A_317 = arith.select %eq3A_314, %iota3A, %broadcast_in_dim3A_316 : vector<256x1024xi1>, vector<256x1024xi32>
      %reduce_min3A = arith.constant dense<2147483647> : vector<256xi32>
      %reduce_min3A_318 = vector.multi_reduction <minsi>, %select_n3A_317, %reduce_min3A [1] : vector<256x1024xi32> to vector<256xi32>
      %swap3A = arith.constant 0 : index
      %swap3A_319 = arith.constant 0 : index
      %swap3A_320 = arith.constant 0 : index
      %swap3A_321 = vector.load %arg7[%swap3A, %swap3A_319, %swap3A_320] : memref<1x1x256xi32, #tpu.memory_space<vmem>>, vector<1x1x256xi32>
      %swap3A_322 = vector.shape_cast %swap3A_321 : vector<1x1x256xi32> to vector<256xi32>
      %swap3A_323 = vector.shape_cast %reduce_min3A_318 : vector<256xi32> to vector<1x1x256xi32>
      tpu.vector_store %arg7[%swap3A, %swap3A_319, %swap3A_320], %swap3A_323 {strides = array<i32>} : memref<1x1x256xi32, #tpu.memory_space<vmem>>, vector<1x1x256xi32>,
    } else {
    }
    return
  }
  func.func @transform_0(%arg0: i32, %arg1: i32, %arg2: memref<8xi32, #tpu.memory_space<smem>>) -> (i32, i32, i32) {
    %mul3A = arith.constant 8 : i32
    %mul3A_0 = arith.muli %arg0, %mul3A : i32
    %add3A = arith.addi %mul3A_0, %arg1 : i32
    %c0_i32 = arith.constant 0 : i32
    %c0_i32_1 = arith.constant 0 : i32
    %c0_i32_2 = arith.constant 0 : i32
    return %add3A, %c0_i32, %c0_i32_1 : i32, i32, i32
  }
  func.func @transform_1(%arg0: i32, %arg1: i32, %arg2: memref<8xi32, #tpu.memory_space<smem>>) -> (i32, i32, i32) {
    %mul3A = arith.constant 8 : i32
    %mul3A_0 = arith.muli %arg0, %mul3A : i32
    %add3A = arith.addi %mul3A_0, %arg1 : i32
    %c0_i32 = arith.constant 0 : i32
    %c0_i32_1 = arith.constant 0 : i32
    %c0_i32_2 = arith.constant 0 : i32
    return %add3A, %c0_i32, %c0_i32_1 : i32, i32, i32
  }
  func.func @transform_2(%arg0: i32, %arg1: i32, %arg2: memref<8xi32, #tpu.memory_space<smem>>) -> (i32, i32, i32) {
    %c0_i32 = arith.constant 0 : i32
    %c0_i32_0 = arith.constant 0 : i32
    %c0_i32_1 = arith.constant 0 : i32
    return %arg0, %c0_i32, %c0_i32_0 : i32, i32, i32
  }
  func.func @transform_3(%arg0: i32, %arg1: i32, %arg2: memref<8xi32, #tpu.memory_space<smem>>) -> (i32, i32, i32) {
    %c0_i32 = arith.constant 0 : i32
    %c0_i32_0 = arith.constant 0 : i32
    %c0_i32_1 = arith.constant 0 : i32
    return %arg0, %c0_i32, %c0_i32_0 : i32, i32, i32
  }
  func.func @transform_4(%arg0: i32, %arg1: i32, %arg2: memref<8xi32, #tpu.memory_space<smem>>) -> (i32, i32, i32) {
    %mul3A = arith.constant 8 : i32
    %mul3A_0 = arith.muli %arg0, %mul3A : i32
    %add3A = arith.addi %mul3A_0, %arg1 : i32
    %c0_i32 = arith.constant 0 : i32
    %c0_i32_1 = arith.constant 0 : i32
    %c0_i32_2 = arith.constant 0 : i32
    return %add3A, %c0_i32, %c0_i32_1 : i32, i32, i32
  }
}

</mosaic_0001>

<sc_bundles>
// kernel: gather_offload_async_start
scs
__scs_entry_jumppad:
0x0: {  	(pc) =	sbr.rel $0x88, $3  }
0x1: {  	(tag) =	ssettag $0x0;
	lr =	simm.s32 $0x1  }
0x2: {  	[smem:$0x3F9F] =	sst lr;
	_ =	strace $0xD0000000  }
0x3: {  	_ = 	snop  }
0x4: {  	_ = 	snop  }
0x5: {  	_ = 	snop  }
0x6: {  	_ = 	snop  }
0x7: {  	_ = 	snop  }
__scs_overlays_trampoline_lowered:
0x8: {  	[smem:$0x3FAE] =	sst s0  }
0x9: {  	[smem:$0x3FAF] =	sst s1  }
0xa: {  	[smem:$0x3FB0] =	sst s2  }
0xb: {  	[smem:$0x3FB1] =	sst s3  }
0xc: {  	[smem:$0x3FB2] =	sst s4  }
0xd: {  	[smem:$0x3FB3] =	sst s5  }
0xe: {  	[smem:$0x3FB4] =	sst s6  }
0xf: {  	[smem:$0x3FB5] =	sst s7  }
0x10: {  	[smem:$0x3FB6] =	sst s8  }
0x11: {  	[smem:$0x3FB7] =	sst s9;
	s0 =	simm.s32 @!p0 $0x0  }
0x12: {  	s1 =	sld [smem:$0x3F9D];
	s0 =	simm.s32 @p0 $0x1  }
0x13: {  	[smem:$0x3FB8] =	sst s0;
	s0 =	simm.s32 @!p1 $0x0  }
0x14: {  	s2 =	sld [smem:$0x3F9C];
	s0 =	simm.s32 @p1 $0x1  }
0x15: {  	[smem:$0x3FB9] =	sst s0;
	s0 =	simm.s32 @!p2 $0x0  }
0x16: {  	s3 =	sld [smem:$0x3FDB];
	s0 =	simm.s32 @p2 $0x1  }
0x17: {  	s4 =	simm.s32 $0x1BF5;
	[smem:$0x3FBB] =	sst s0  }
0x18: {  	s0 =	sld [smem:$0x3F9E];
	_ =	swait.ge [sflag:s4], $0x0  }
0x19: {  	s7 =	sld [smem:$0x3F9F]  }
0x1a: {  	s8 =	sadd.s32 $0xFFFFE003, lr  }
0x1b: {  	s9 =	sadd.s32 $0xFFFFFEF7, lr;
	s5 =	simm.s32 $0xFFFFFFFF;
	p2 =	slt.u32 s8, $0xFFFFF086  }
0x1c: {  	p1 =	slt.u32 s9, $0xF7A;
	s5 =	simm.s32 @!p2 $0x0  }
0x1d: {  	s5 =	simm.s32 @p1 $0x1;
	p0 =	seq.s32 s7, s2  }
0x1e: {  	s7 =	smul.u32 @!p0 $0xF7A, s2;
	p2 =	seq.s32 @!p0 s5, $0x0  }
0x1f: {  	s9 =	smul.u32 $0xF7A, s1;
	s8 =	simm.s32 @!p0 $0x1BF5;
	p2 =	por !p2, p0  }
0x20: {  	[sflag:s8] =	ssyncset.s32 @!p0 $0xFFFFF086;
	s6 =	sadd.s32 @!p0 s3, s7;
	s7 =	simm.s32 @!p0 $0x108  }
0x21: {  	s3 =	sadd.s32 s3, s9;
	s6 =	sadd.s32 @!p0 $0x88, s6;
	s7 =	simm.s32 @p2 $0x1082  }
0x22: {  	[simem:s7], [sflag:s8] =	dma.local @!p0 [hbm:s6], $0xF7A  }
0x23: {  	s9 =	sor.u32 $0xD0000000, s2;
	s6 =	simm.s32 $0x108;
	_ =	swait.ge @!p0 [sflag:s8], $0x0  }
0x24: {  	s3 =	sadd.s32 $0x88, s3;
	s6 =	simm.s32 @!p1 $0x1082;
	[sflag:s4] =	ssyncset.s32 $0xFFFFF086  }
0x25: {  	[simem:s6], [sflag:s4] =	dma.local [hbm:s3], $0xF7A  }
0x26: {  	[smem:$0x3F9F] =	sst s1;
	(tag) =	ssettag s2;
	_ =	strace s9  }
0x27: {  	s1 =	sld [smem:$0x3FAF]  }
0x28: {  	s2 =	sld [smem:$0x3FB0]  }
0x29: {  	s4 =	sld [smem:$0x3FB2]  }
0x2a: {  	p0 =	seq.s32 s5, $0x0;
	s5 =	sld [smem:$0x3FB3]  }
0x2b: {  	s6 =	sld [smem:$0x3FB4]  }
0x2c: {  	s7 =	sld [smem:$0x3FB5]  }
0x2d: {  	s3 =	simm.s32 $0x108;
	s8 =	sld [smem:$0x3FB6]  }
0x2e: {  	s3 =	simm.s32 @!p0 $0x1082;
	s9 =	sld [smem:$0x3FB7]  }
0x2f: {  	lr =	sadd.s32 s0, s3;
	s0 =	sld [smem:$0x3FAE]  }
0x30: {  	s3 =	sld [smem:$0x3FB1]  }
0x31: {  	[smem:$0x3FBA] =	sst s10  }
0x32: {  	s10 =	sld [smem:$0x3FB8];
	_ =	sdelay $0x3  }
0x33: {  	p0 =	seq.s32 s10, $0x1;
	s10 =	sld [smem:$0x3FBA];
	_ =	sdelay $0x3  }
0x34: {  	[smem:$0x3FBA] =	sst s10  }
0x35: {  	s10 =	sld [smem:$0x3FB9];
	_ =	sdelay $0x3  }
0x36: {  	p1 =	seq.s32 s10, $0x1;
	s10 =	sld [smem:$0x3FBA];
	_ =	sdelay $0x3  }
0x37: {  	[smem:$0x3FBA] =	sst s10  }
0x38: {  	s10 =	sld [smem:$0x3FBB]  }
0x39: {  	_ = 	snop;
	(pc) =	sbr.ind lr, $3  }
0x3a: {  	_ = 	snop  }
0x3b: {  	_ = 	snop  }
0x3c: {  	p2 =	seq.s32 s10, $0x1;
	s10 =	sld [smem:$0x3FBA]  }
0x3d: {  	_ =	shalt  }
0x3e: {  	_ =	shalt  }
0x3f: {  	_ =	shalt  }
0x40: {  	_ =	shalt  }
0x41: {  	_ =	shalt  }
0x42: {  	_ =	shalt  }
0x43: {  	_ =	shalt  }
0x44: {  	_ =	shalt  }
0x45: {  	_ =	shalt  }
0x46: {  	_ =	shalt  }
0x47: {  	_ =	shalt  }
0x48: {  	_ =	shalt  }
0x49: {  	_ =	shalt  }
0x4a: {  	_ =	shalt  }
0x4b: {  	_ =	shalt  }
0x4c: {  	_ =	shalt  }
0x4d: {  	_ =	shalt  }
0x4e: {  	_ =	shalt  }
0x4f: {  	_ =	shalt  }
0x50: {  	_ =	shalt  }
0x51: {  	_ =	shalt  }
0x52: {  	_ =	shalt  }
0x53: {  	_ =	shalt  }
0x54: {  	_ =	shalt  }
0x55: {  	_ =	shalt  }
0x56: {  	_ =	shalt  }
0x57: {  	_ =	shalt  }
0x58: {  	_ =	shalt  }
0x59: {  	_ =	shalt  }
0x5a: {  	_ =	shalt  }
0x5b: {  	_ =	shalt  }
0x5c: {  	_ =	shalt  }
0x5d: {  	_ =	shalt  }
0x5e: {  	_ =	shalt  }
0x5f: {  	_ =	shalt  }
0x60: {  	_ =	shalt  }
0x61: {  	_ =	shalt  }
0x62: {  	_ =	shalt  }
0x63: {  	_ =	shalt  }
0x64: {  	_ =	shalt  }
0x65: {  	_ =	shalt  }
0x66: {  	_ =	shalt  }
0x67: {  	_ =	shalt  }
0x68: {  	_ =	shalt  }
0x69: {  	_ =	shalt  }
0x6a: {  	_ =	shalt  }
0x6b: {  	_ =	shalt  }
0x6c: {  	_ =	shalt  }
0x6d: {  	_ =	shalt  }
0x6e: {  	_ =	shalt  }
0x6f: {  	_ =	shalt  }
0x70: {  	_ =	shalt  }
0x71: {  	_ =	shalt  }
0x72: {  	_ =	shalt  }
0x73: {  	_ =	shalt  }
0x74: {  	_ =	shalt  }
0x75: {  	_ =	shalt  }
0x76: {  	_ =	shalt  }
0x77: {  	_ =	shalt  }
0x78: {  	_ =	shalt  }
0x79: {  	_ =	shalt  }
0x7a: {  	_ =	shalt  }
0x7b: {  	_ =	shalt  }
0x7c: {  	_ =	shalt  }
0x7d: {  	_ =	shalt  }
0x7e: {  	_ =	shalt  }
0x7f: {  	_ =	shalt  }
0x80: {  	_ =	shalt  }
0x81: {  	_ =	shalt  }
0x82: {  	_ =	shalt  }
0x83: {  	_ =	shalt  }
0x84: {  	_ =	shalt  }
0x85: {  	_ =	shalt  }
0x86: {  	_ =	shalt  }
0x87: {  	_ =	shalt  }
.Lfunc_end0:
.L_simem_size_0:
called_computation_lowered:
.L_overlay_start_0:
0x88: {  	s2 =	sld [smem:$0x3FD9]  }
0x89: {  	s3 =	sld [smem:$0x3FFE];
	_ =	sdelay $0x1  }
0x8a: {  	s1 =	srdreg.scid  }
0x8b: {  	s0 =	sand.u32 $0x1, s1  }
0x8c: {  	s17 =	sshll.u32 s0, $0xA;
	s2 =	sadd.s32 s3, s2  }
0x8d: {  	s2 =	sadd.s32 s2, s17  }
0x8e: {  	[smem:$0x3FC6] =	sst s2  }
0x8f: {  	_ = 	snop  }
0x90: {  	s2 =	sld [smem:$0x3FD0];
	(tm) =	ssettm $0x1  }
0x91: {  	s18 =	sld [smem:$0x3FFB];
	_ =	sdelay $0x3  }
0x92: {  	_ =	strace s18  }
0x93: {  	s3 =	sld [smem:$0x3FFC];
	_ =	sdelay $0x3  }
0x94: {  	_ =	strace s3  }
0x95: {  	s3 =	sld [smem:$0x3FFD];
	_ =	sdelay $0x3  }
0x96: {  	_ =	strace s3  }
0x97: {  	_ =	strace $0x8FFFFFFF  }
0x98: {  	s19 =	sld [smem:$0x3FDB];
	_ =	sdelay $0x1  }
0x99: {  	s4 =	simm.s32 $_scs_section_size  }
0x9a: {  	s5 =	simm.s32 $_size__tile_overlayer_lowered;
	s6 =	simm.s32 $_tile_overlayer_lowered  }
0x9b: {  	s22 =	simm.s32 $0x1BFF;
	s21 =	sshll.u32 s6, $0x1;
	s3 =	sadd.s32 s4, s19  }
0x9c: {  	s7 =	simm.s32 $0x0;
	s20 =	sshll.u32 s5, $0x1;
	s5 =	sadd.s32 s21, s3  }
0x9d: {  	[timem:s7], [sflag:s22] =	dma.local [hbm:s5], s20  }
0x9e: {  	_ =	swait.ge [sflag:s22], s20  }
0x9f: {  	s4 =	ssub.s32 $0x0, s20;
	[sflag:s22] =	ssyncset.done $0x0  }
0xa0: {  	[sflag:s22] =	ssyncadd.s32 s4;
	_ =	sdelay $0x1  }
0xa1: {  	s23 =	simm.s32 $0x1B8B  }
0xa2: {  	_ =	swait.ge [sflag:s23], $0x1  }
0xa3: {  	[sflag:s23] =	ssyncset.done $0x0  }
0xa4: {  	s25 =	simm.s32 $0x1B8E;
	s24 =	sld [smem:$0x3FFE];
	[sflag:s23] =	ssyncadd.s32 $0xFFFFFFFF  }
0xa5: {  	s26 =	simm.s32 $execute0_lowered;
	[smem:$0x3FD2] =	sst s25  }
0xa6: {  	s5 =	sshll.u32 s26, $0x1;
	_ =	strace $0x80000046;
	[dreg:$0x1] =	wrdreg $0xFFFFFFFF  }
0xa7: {  	s28 =	simm.s32 $_size_execute0_lowered;
	s3 =	sadd.s32 s3, s5;
	[dreg:$0x0] =	wrdreg $0x0  }
0xa8: {  	s5 =	sshll.u32 s28, $0x1;
	[dreg:$0x2] =	wrdreg s3  }
0xa9: {  	[dreg:$0x3] =	wrdreg s5  }
0xaa: {  	[dreg:$0x4] =	wrdreg $0xC0  }
0xab: {  	_ =	task [dreg:s7], $0x5FFFF  }
0xac: {  	[dreg:$0x1] =	wrdreg $0xFFFFFFFF  }
0xad: {  	[dreg:$0x0] =	wrdreg $0x60  }
0xae: {  	[dreg:$0x2] =	wrdreg s24  }
0xaf: {  	[dreg:$0x3] =	wrdreg s2  }
0xb0: {  	[dreg:$0x4] =	wrdreg $0x9  }
0xb1: {  	_ =	task.clear_ibuf [dreg:s7], $0x5FFFF;
	_ =	strace $0x90000046  }
0xb2: {  	s29 =	simm.s32 $0x9;
	_ =	strace $0x80000048  }
0xb3: {  	_ =	swait.ge [sflag:s29], $0x1  }
0xb4: {  	[sflag:s29] =	ssyncadd.s32 $0xFFFFFFFF  }
0xb5: {  	_ =	strace $0x90000048  }
0xb6: {  	_ =	sfence  }
0xb7: {  	s30 =	sld [smem:$0x0];
	_ =	sdelay $0x2  }
0xb8: {  	s31 =	sshll.u32 s1, $0xD;
	s1 =	sshrl.u32 s1, $0x2  }
0xb9: {  	s3 =	sand.u32 $0x4000, s31;
	s1 =	sadd.s32 s1, s30  }
0xba: {  	s0 =	sor.u32 s3, s0;
	s1 =	sshll.u32 s1, $0x11  }
0xbb: {  	s0 =	sor.u32 s1, s0  }
0xbc: {  	s0 =	sadd.s32 $0x8F2B, s0  }
0xbd: {  	[sflag:s0] =	ssyncadd.remote.s32 $0x1  }
0xbe: {  	_ =	sfence.sel $0xFFFF  }
0xbf: {  	[dreg:$0x0] =	wrdreg $0xFFFFFFFF;
	(pc) =	sbr.abs _section_cstart, $3  }
0xc0: {  	[dreg:$0x1] =	wrdreg $0xFFFFFFFF  }
0xc1: {  	_ =	task.clear_ibuf [dreg:s7], $0x2FFFF;
	_ =	strace $0x9FFFFFFF  }
0xc2: {  	(tm) =	ssettm $0x7FFFFFFF  }
0xc3: {  	_ =	shalt  }
tec
execute0_lowered:
.L_overlay_start_1:
0x0: {  	(tag) =	ssettag $0x1  }
0x1: {  	s1 =	srdreg.scid;
	s2 =	rddreg [dreg:$0x0]  }
0x2: {  	s0 =	stileid.u32;
	s3 =	rddreg [dreg:$0x1]  }
0x3: {  	s6 =	simm.s32 $0x1;
	s9 =	simm.s32 $0x1;
	s1 =	sshll.u32 s1, $0x8  }
0x4: {  	s10 =	simm.s32 $0x3;
	s4 =	sshll.u32 s0, $0x9;
	s5 =	sand.u32 $0x100, s1  }
0x5: {  	s13 =	simm.s32 $0x0;
	s12 =	simm.s32 $0x0;
	s4 =	sor.u32 s4, s5  }
0x6: {  	s1 =	rddreg [dreg:$0x2];
	_ =	strace $0x80000047;
	s8 =	ssub.s32 $0x4000, s4  }
.Ltmp0:
0x7: {  	s5 =	sadd.s32 $0x20000, s2;
	s7 =	sand.u32 $0x1F00, s8;
	(pc) =	sbr.rel .LBB2_1-.Ltmp0, $4  }
0x8: {  	[sflag:s6] =	ssyncpa.u1 $0x0;
	s11 =	smov.u32 s4;
	p0 =	sne.s32 s7, $0x0  }
0x9: {  	s8 =	sshrl.u32 s8, $0xD;
	s7 =	simm.s32 $0x2;
	s9 =	simm.s32 @!p0 $0x0  }
0xa: {  	[sflag:s7] =	ssyncpa.u1 $0x0;
	p0 =	por $0x0, $0x0;
	s8 =	sadd.s32 s9, s8  }
0xb: {  	vm0 =	vmmov $0xffff;
	[sflag:s10] =	ssyncpa.u1 $0x0;
	s10 =	simm.s32 $0x0;
	s9 =	sadd.s32 $0x1, s8  }
.LBB2_4:
0xc: {  	v5 =	vshll.u32 v1, $0x4  }
0xd: {  	vm1 =	veq.s32 v1, $0x80000000;
	v60 =	vand.u32 $0x7, v1;
	v5 =	vand.u32 $0xFFF80, v5  }
0xe: {  	v1 =	vsel vm1, $0xFFFFFFFF, v60;
	v5 =	vsel vm1, $0xFFFFFF80, v5  }
0xf: {  	v3 =	vor.u32 v4, v3;
	v6 =	vand.u32 $0xFFFFFC00, v1;
	v61 =	vand.u32 $0xFFFFFC00, v5  }
0x10: {  	v2 =	vor.u32 v2, v3;
	v63 =	vand.u32 $0x380, v5;
	v62 =	vadd.s32 v6, v61  }
0x11: {  	v1 =	vand.u32 $0x7F, v1;
	v3 =	vor.u32 v63, v62  }
0x12: {  	v1 =	vor.u32 v1, v3  }
0x13: {  	[tilespmem:s15], [sflag:$0x1] =	stream.indirect_vreg.gather [hbm4b:s2+s10], $0x1, v0, vm0, $0x4038;
	[tilespmem:$0x400] =	vst v63  }
0x14: {  	(ifvalue) =	ssetifvalue $0x7FFFFFFF  }
0x15: {  	[tilespmem:s16], [sflag:$0x1] =	stream.indirect_vreg.gather [hbm4b:s2+s10], $0x1, v2, vm0, $0x4038;
	[tilespmem:$0x400] =	vst v63  }
0x16: {  	s29 =	sadd.s32 $0x10, s16;
	(ifvalue) =	ssetifvalue $0x7FFFFFFF  }
0x17: {  	[tilespmem:s29], [sflag:$0x1] =	stream.indirect_vreg.gather [hbm4b:s2+s10], $0x1, v1, vm0, $0x4038;
	[tilespmem:$0x400] =	vst v63  }
0x18: {  	_ =	swait.ge [sflag:s6], $0x100  }
0x19: {  	s30 =	sshrl.u32 s13, $0x3;
	[sflag:s6] =	ssyncset.done $0x0  }
0x1a: {  	s31 =	sand.u32 $0x7, s13;
	s15 =	sadd.s32 s5, s30;
	[sflag:s6] =	ssyncadd.s32 $0xFFFFFF00  }
0x1b: {  	[hbm4b:s15+s31] =	stream.linear.scatter [tilespmem:s14], [sflag:$0x3], $0x100, $0x38;
	[tilespmem:$0x400] =	vst v63  }
.LBB2_5:
0x1c: {  	s15 =	sadd.s32 $0x2000, s11  }
0x1d: {  	p2 =	sgt.s32 s15, $0x3FFF  }
0x1e: {  	s15 =	smov.u32 @p2 s4;
	p2 =	sne.s32 s12, s9  }
.Ltmp1:
0x1f: {  	p1 =	slt.u32 s12, $0x2;
	(pc) =	sbr.rel @!p2 .LBB2_6-.Ltmp1, $4  }
0x20: {  	s14 =	simm.s32 @!p1 $0x3  }
0x21: {  	s16 =	sadd.s32 $0x1, s12;
	_ =	swait.ge @!p1 [sflag:s14], $0x100  }
0x22: {  	s13 =	smov.u32 s11;
	p0 =	por !p0, !p0;
	[sflag:s14] =	ssyncset.done @!p1 $0x0  }
0x23: {  	s12 =	smov.u32 s16;
	s11 =	smov.u32 s15;
	[sflag:s14] =	ssyncadd.s32 @!p1 $0xFFFFFF00  }
.LBB2_1:
0x24: {  	p1 =	sge.u32 s12, s8  }
0x25: {  	s14 =	sxor.u32 @!p1 $0xFFFFFFFF, s12  }
0x26: {  	s31 =	sadd.s32 $0xFFFFFFFF, s12;
	s15 =	sshrl.u32 @!p1 s11, $0x3;
	s14 =	sshll.u32 @!p1 s14, $0x8  }
0x27: {  	s16 =	sand.u32 @!p1 $0x7, s11;
	s15 =	sadd.s32 @!p1 s3, s15;
	s14 =	sand.u32 @!p1 $0x100, s14  }
0x28: {  	[tilespmem:s14], [sflag:$0x2] =	stream.linear.gather @!p1 [hbm4b:s15+s16], $0x100, $0x38;
	[tilespmem:$0x400] =	vst v63  }
0x29: {  	p1 =	sge.u32 s31, s8  }
.Ltmp2:
0x2a: {  	_ = 	snop;
	(pc) =	sbr.rel @p1 .LBB2_5-.Ltmp2, $1  }
0x2b: {  	_ =	sdelay $0x3  }
0x2c: {  	s14 =	simm.s32 $0x1  }
0x2d: {  	_ =	swait.ge [sflag:s7], $0x100;
	s14 =	simm.s32 @!p0 $0x0  }
0x2e: {  	[sflag:s7] =	ssyncset.done $0x0;
	s14 =	sshll.u32 s14, $0x8  }
0x2f: {  	[sflag:s7] =	ssyncadd.s32 $0xFFFFFF00;
	(ifvalue) =	ssetifvalue $0x7FFFFFFF;
	v0 =	vld.msk [tilespmem:s14+$0x0 ss:$0x1], $0xffff;
	_ =	sdelay $0x4  }
0x30: {  	s15 =	sadd.s32 $0x10, s14;
	v2 =	vshll.u32 v0, $0x4  }
0x31: {  	v1 =	vld.msk [tilespmem:s15+$0x0 ss:$0x1], $0xffff;
	vm1 =	veq.s32 v0, $0x80000000;
	v0 =	vand.u32 $0x7, v0;
	v2 =	vand.u32 $0xFFF80, v2  }
0x32: {  	v0 =	vsel vm1, $0xFFFFFFFF, v0;
	v2 =	vsel vm1, $0xFFFFFF80, v2  }
0x33: {  	v3 =	vand.u32 $0x7F, v0;
	v0 =	vand.u32 $0xFFFFFC00, v0;
	v4 =	vand.u32 $0xFFFFFC00, v2  }
0x34: {  	v2 =	vand.u32 $0x380, v2;
	v0 =	vadd.s32 v0, v4  }
0x35: {  	v0 =	vor.u32 v2, v0  }
0x36: {  	v4 =	vshll.u32 v1, $0x4;
	v0 =	vor.u32 v3, v0  }
0x37: {  	s16 =	sshll.u32 s12, $0x8;
	vm1 =	veq.s32 v1, $0x80000000;
	v1 =	vand.u32 $0x7, v1;
	v4 =	vand.u32 $0xFFF80, v4  }
0x38: {  	s16 =	sand.u32 $0x100, s16;
	s18 =	sadd.s32 $0x10, s15;
	v2 =	vsel vm1, $0xFFFFFFFF, v1;
	v4 =	vsel vm1, $0xFFFFFF80, v4  }
0x39: {  	s17 =	simm.s32 $0x20;
	s15 =	sor.u32 $0x200, s14;
	s14 =	sor.u32 $0x200, s16;
	v1 =	vld.msk [tilespmem:s18+$0x0 ss:$0x1], $0xffff;
	v5 =	vand.u32 $0xFFFFFC00, v2;
	v3 =	vand.u32 $0xFFFFFC00, v4  }
0x3a: {  	s16 =	sadd.s32 $0x10, s15;
	s18 =	sadd.s32 $0x10, s18;
	(ifvalue) =	ssetifvalue $0x7FFFFFFF;
	v2 =	vand.u32 $0x7F, v2;
	v4 =	vand.u32 $0x380, v4;
	v3 =	vadd.s32 v5, v3  }
.LBB2_3:
0x3b: {  	[tilespmem:s15], [sflag:$0x1] =	stream.indirect_vreg.gather [hbm4b:s2+s10], $0x1, v0, vm0, $0x4038;
	[tilespmem:$0x400] =	vst v63  }
0x3c: {  	s17 =	sadd.s32 $0x10, s17  }
0x3d: {  	v3 =	vor.u32 v4, v3;
	p1 =	slt.u32 s17, $0xF0  }
.Ltmp3:
0x3e: {  	v4 =	vshll.u32 v1, $0x4;
	s15 =	smov.u32 s16;
	v0 =	vor.u32 v2, v3;
	v2 =	vmov v1;
	v1 =	vld.msk [tilespmem:s18+$0x0 ss:$0x1], $0xffff;
	(pc) =	sbr.rel @p1 .LBB2_3-.Ltmp3, $4  }
0x3f: {  	v3 =	vand.u32 $0xFFF80, v4;
	vm1 =	veq.s32 v2, $0x80000000;
	v2 =	vand.u32 $0x7, v2  }
0x40: {  	v4 =	vsel vm1, $0xFFFFFFFF, v2;
	v5 =	vsel vm1, $0xFFFFFF80, v3  }
0x41: {  	v2 =	vand.u32 $0x7F, v4;
	v3 =	vand.u32 $0xFFFFFC00, v5;
	v4 =	vand.u32 $0xFFFFFC00, v4  }
0x42: {  	s16 =	sadd.s32 $0x10, s16;
	s18 =	sadd.s32 $0x10, s18;
	v3 =	vadd.s32 v4, v3;
	v4 =	vand.u32 $0x380, v5;
	(ifvalue) =	ssetifvalue $0x7FFFFFFF  }
.Ltmp4:
0x43: {  	_ = 	snop;
	(pc) =	sbr.rel .LBB2_4-.Ltmp4, $1  }
0x44: {  	_ =	sdelay $0x3  }
.LBB2_6:
0x45: {  	_ =	sfence.sel $0x180000  }
0x46: {  	s2 =	simm.s32 $0x2;
	[bflag:$0x0] =	sbarrier.arrive $0xFFFF  }
0x47: {  	s30 =	simm.s32 $0x3;
	[sflag:s2] =	ssyncpa.u1 $0x1  }
0x48: {  	s31 =	simm.s32 $0x1;
	[sflag:s30] =	ssyncpa.u1 $0x1  }
0x49: {  	[sflag:s31] =	ssyncpa.u1 $0x1  }
0x4a: {  	p0 =	sne.s32 s0, $0x0;
	_ =	strace $0x90000047  }
0x4b: {  	s0 =	sadd.s32 @!p0 $0x100000, s1;
	[bflag:$0x2] =	sbarrier.arrive $0xFFFF  }
0x4c: {  	[sflag:s0] =	ssyncadd.tile.s32 @!p0 $0x1;
	_ =	shalt  }
.Lfunc_end2:
_tile_overlayer_lowered:
.L_overlay_start_2:
0x4d: {  	(tag) =	ssettag $0x2  }
0x4e: {  	s0 =	rddreg [dreg:$0x0];
	s2 =	stileid.u32  }
0x4f: {  	s1 =	rddreg [dreg:$0x1];
	p0 =	sne.s32 s2, $0x0  }
0x50: {  	s3 =	rddreg [dreg:$0x2];
	[bflag:$0x3] =	sbarrier.arrive $0xFFFF;
	s2 =	simm.s32 @!p0 $0x1C01  }
0x51: {  	[timem:s3], [sflag:s2] =	dma.local @!p0 [hbm:s0], s1  }
0x52: {  	s0 =	simm.s32 @!p0 $0x1  }
0x53: {  	_ =	swait.ge @!p0 [sflag:s0], s1  }
0x54: {  	s1 =	ssub.s32 @!p0 $0x0, s1;
	[sflag:s0] =	ssyncset.done @!p0 $0x0  }
0x55: {  	[sflag:s0] =	ssyncadd.s32 @!p0 s1  }
0x56: {  	[bflag:$0x3] =	sbarrier.arrive $0xFFFF  }
0x57: {  	_ =	shalt  }

</sc_bundles>
